<compile_context>
chip_gen: v7x
topology: tpu7x:2x2x1
jax: 0.10.2.dev20260603
libtpu: 0.0.44.dev20260713+nightly
codegen_flags: <defaults>
</compile_context>

<pallas_src>
import functools

import jax
import jax.numpy as jnp
import numpy as np
from jax import lax
from jax.experimental import pallas as pl
from jax.experimental.pallas import tpu as pltpu
from jax.experimental.pallas import tpu_sc as plsc

B = 4096
NUM_FIELDS = 26
VOCAB = 100000
EMB = 64
NUM_DENSE = 13
NV = NUM_FIELDS + 1
INTER = NV * (NV - 1) // 2
TABLE_ROWS = NUM_FIELDS * VOCAB

NC, NS = 2, 16
NW = NC * NS
TOTAL_ROWS = B * NUM_FIELDS
ROWS_PER_W = TOTAL_ROWS // NW
CHUNK = 128
NCHUNK = ROWS_PER_W // CHUNK

PACK_BV = 32768
PACK_GRID = (TABLE_ROWS + PACK_BV - 1) // PACK_BV
QUAD_ROWS = PACK_GRID * (PACK_BV // 4)

_tril_i, _tril_j = np.tril_indices(NV, -1)
_pair_map = np.full((NV * NV,), INTER, dtype=np.int32)
_pair_map[_tril_i * NV + _tril_j] = np.arange(INTER, dtype=np.int32)


def _pack_body(in_ref, out_ref):
  t = in_ref[...]
  half = PACK_BV // 2
  ta = t[:, :half].T.astype(jnp.bfloat16)
  tb = t[:, half:].T.astype(jnp.bfloat16)
  cat = jnp.concatenate([ta, tb], axis=1)
  out_ref[...] = pltpu.bitcast(cat, jnp.int32)


def _pack_table(emb_table):
  et = emb_table.T
  return pl.pallas_call(
      _pack_body,
      grid=(PACK_GRID,),
      in_specs=[pl.BlockSpec((EMB, PACK_BV), lambda i: (0, i))],
      out_specs=pl.BlockSpec((PACK_BV // 4, 2 * EMB), lambda i: (i, 0)),
      out_shape=jax.ShapeDtypeStruct((QUAD_ROWS, 2 * EMB), jnp.int32),
  )(et)


def _sc_gather(table_p, idx3):
  mesh = plsc.VectorSubcoreMesh(core_axis_name="c", subcore_axis_name="s")

  @functools.partial(
      pl.kernel,
      mesh=mesh,
      out_type=jax.ShapeDtypeStruct((TOTAL_ROWS, 2 * EMB), jnp.int32),
      scratch_types=[
          pltpu.VMEM((NCHUNK, CHUNK), jnp.int32),
          pltpu.VMEM((CHUNK, 2 * EMB), jnp.int32),
          pltpu.VMEM((CHUNK, 2 * EMB), jnp.int32),
          pltpu.SemaphoreType.DMA,
          pltpu.SemaphoreType.DMA,
      ],
      compiler_params=pltpu.CompilerParams(use_tc_tiling_on_sc=False),
  )
  def k(table_hbm, idx_hbm, out_hbm, idx_v, rows_a, rows_b, sem_a, sem_b):
    wid = lax.axis_index("s") * NC + lax.axis_index("c")
    base = wid * ROWS_PER_W
    pltpu.sync_copy(idx_hbm.at[wid], idx_v)

    def fire(c, rows, sem):
      pltpu.async_copy(table_hbm.at[idx_v.at[c]], rows, sem)

    def drain(c, rows, sem):
      pltpu.make_async_copy(table_hbm.at[idx_v.at[c]], rows, sem).wait()

    def out_slice(c):
      return out_hbm.at[pl.ds(base + c * CHUNK, CHUNK)]

    fire(0, rows_a, sem_a)

    def body(i, _):
      c = 2 * i
      fire(c + 1, rows_b, sem_b)
      drain(c, rows_a, sem_a)
      pltpu.sync_copy(rows_a, out_slice(c))

      @pl.when(c + 2 < NCHUNK)
      def _():
        fire(c + 2, rows_a, sem_a)

      drain(c + 1, rows_b, sem_b)
      pltpu.sync_copy(rows_b, out_slice(c + 1))
      return 0

    lax.fori_loop(0, NCHUNK // 2, body, 0)

  return k(table_p, idx3)


def _tc_body(num_ref, emb_ref, sel_ref, bw0, bb0, bw1, bb1, bw2, bb2,
             tw0a, wz, tb0, tw1, tb1, tw2, tb2, tw3, tb3, tw4, tb4,
             out_ref):
  f32 = jnp.float32
  x = num_ref[...]
  h = jnp.maximum(jnp.dot(x, bw0[...], preferred_element_type=f32) + bb0[...], 0.0)
  h = jnp.maximum(jnp.dot(h, bw1[...], preferred_element_type=f32) + bb1[...], 0.0)
  bmo = jnp.maximum(jnp.dot(h, bw2[...], preferred_element_type=f32) + bb2[...], 0.0)
  ep = emb_ref[...]
  s = sel_ref[...]
  word = jnp.where(s >= 1.5, ep[:, :, EMB:], ep[:, :, :EMB])
  odd = jnp.logical_or(s == 1.0, s == 3.0)
  bits = jnp.where(odd, word & jnp.int32(-65536), word << 16)
  emb = lax.bitcast_convert_type(bits, f32)
  t3 = jnp.concatenate([bmo[:, None, :], emb], axis=1)
  z3 = lax.dot_general(t3, t3, (((2,), (2,)), ((0,), (0,))),
                       preferred_element_type=f32)
  zf = z3.reshape(z3.shape[0], NV * NV)
  x1 = jnp.maximum(jnp.dot(bmo, tw0a[...], preferred_element_type=f32)
                   + jnp.dot(zf, wz[...], preferred_element_type=f32)
                   + tb0[...], 0.0)
  x2 = jnp.maximum(jnp.dot(x1, tw1[...], preferred_element_type=f32) + tb1[...], 0.0)
  x3 = jnp.maximum(jnp.dot(x2, tw2[...], preferred_element_type=f32) + tb2[...], 0.0)
  x4 = jnp.maximum(jnp.dot(x3, tw3[...], preferred_element_type=f32) + tb3[...], 0.0)
  out_ref[...] = jnp.dot(x4, tw4[...], preferred_element_type=f32) + tb4[...]


def kernel(numerical_input, categorical_inputs, emb_table,
           bw0, bb0, bw1, bb1, bw2, bb2,
           tw0, tb0, tw1, tb1, tw2, tb2, tw3, tb3, tw4, tb4):
  offsets = (jnp.arange(NUM_FIELDS, dtype=jnp.int32) * VOCAB)[None, :]
  idx = categorical_inputs + offsets
  half = PACK_BV // 2
  r = idx % PACK_BV
  prow = (idx // PACK_BV) * half + (r % half)
  hi_half = (r >= half).astype(jnp.int32)
  idx3 = (prow >> 1).reshape(NW, NCHUNK, CHUNK)
  sel = jnp.broadcast_to(
      (2 * hi_half + (prow & 1)).astype(jnp.float32)[:, :, None],
      (B, NUM_FIELDS, EMB))
  tw0_pad = jnp.concatenate([tw0[EMB:], jnp.zeros((1, tw0.shape[1]), tw0.dtype)], axis=0)
  wz = jnp.take(tw0_pad, jnp.asarray(_pair_map), axis=0)
  tw0a = tw0[:EMB]

  table_p = _pack_table(emb_table)
  emb_rows = _sc_gather(table_p, idx3)
  emb3 = emb_rows.reshape(B, NUM_FIELDS, 2 * EMB)

  bm = 256
  grid = (B // bm,)
  full = lambda shape: pl.BlockSpec(shape, lambda i: (0,) * len(shape))
  out = pl.pallas_call(
      _tc_body,
      grid=grid,
      in_specs=[
          pl.BlockSpec((bm, NUM_DENSE), lambda i: (i, 0)),
          pl.BlockSpec((bm, NUM_FIELDS, 2 * EMB), lambda i: (i, 0, 0)),
          pl.BlockSpec((bm, NUM_FIELDS, EMB), lambda i: (i, 0, 0)),
          full((NUM_DENSE, 512)), full((1, 512)),
          full((512, 256)), full((1, 256)),
          full((256, EMB)), full((1, EMB)),
          full((EMB, 1024)), full((NV * NV, 1024)), full((1, 1024)),
          full((1024, 1024)), full((1, 1024)),
          full((1024, 512)), full((1, 512)),
          full((512, 256)), full((1, 256)),
          full((256, 1)), full((1, 1)),
      ],
      out_specs=pl.BlockSpec((bm, 1), lambda i: (i, 0)),
      out_shape=jax.ShapeDtypeStruct((B, 1), jnp.float32),
  )(
      numerical_input, emb3, sel,
      bw0, bb0[None, :], bw1, bb1[None, :], bw2, bb2[None, :],
      tw0a, wz, tb0[None, :],
      tw1, tb1[None, :], tw2, tb2[None, :], tw3, tb3[None, :],
      tw4, tb4[None, :],
  )
  return out

# --- scband reference (transcript-rebuilt; emitter-appended) ---
"""Pipeline reference for scband-dlrm-33277406609850 (READ-ONLY COPY).

The authoritative reference and input builder live on the scoring server;
editing this copy changes nothing except your own understanding.
"""

import jax, jax.numpy as jnp
import numpy as np

B = 4096
NUM_FIELDS = 26
VOCAB = 100000
EMB = 64
NUM_DENSE = 13
NUM_VECTORS = NUM_FIELDS + 1  # 26 embeddings + bottom MLP output
INTER_DIM = NUM_VECTORS * (NUM_VECTORS - 1) // 2  # 351
TOP_IN = EMB + INTER_DIM  # 415

_TRIL_I, _TRIL_J = np.tril_indices(NUM_VECTORS, -1)


def _w(k, shape, scale=0.05):
    return jax.random.normal(k, shape, dtype=jnp.float32) * scale


def setup_inputs(seed: int = 0) -> dict:
    key = jax.random.key(seed)
    ks = jax.random.split(key, 24)
    inp = {}
    inp['numerical_input'] = jax.random.normal(ks[0], (B, NUM_DENSE), dtype=jnp.float32)
    inp['categorical_inputs'] = jax.random.randint(ks[1], (B, NUM_FIELDS), 0, VOCAB, dtype=jnp.int32)
    # joint embedding table: 26 tables of [VOCAB, EMB] stacked row-wise
    inp['emb_table'] = _w(ks[2], (NUM_FIELDS * VOCAB, EMB), 0.01)
    # bottom MLP: 13 -> 512 -> 256 -> 64
    inp['bw0'] = _w(ks[3], (NUM_DENSE, 512)); inp['bb0'] = jnp.zeros((512,), jnp.float32)
    inp['bw1'] = _w(ks[4], (512, 256));       inp['bb1'] = jnp.zeros((256,), jnp.float32)
    inp['bw2'] = _w(ks[5], (256, EMB));       inp['bb2'] = jnp.zeros((EMB,), jnp.float32)
    # top MLP: 415 -> 1024 -> 1024 -> 512 -> 256 -> 1
    inp['tw0'] = _w(ks[6], (TOP_IN, 1024));   inp['tb0'] = jnp.zeros((1024,), jnp.float32)
    inp['tw1'] = _w(ks[7], (1024, 1024));     inp['tb1'] = jnp.zeros((1024,), jnp.float32)
    inp['tw2'] = _w(ks[8], (1024, 512));      inp['tb2'] = jnp.zeros((512,), jnp.float32)
    inp['tw3'] = _w(ks[9], (512, 256));       inp['tb3'] = jnp.zeros((256,), jnp.float32)
    inp['tw4'] = _w(ks[10], (256, 1));        inp['tb4'] = jnp.zeros((1,), jnp.float32)
    return inp


def reference(numerical_input, categorical_inputs, emb_table,
              bw0, bb0, bw1, bb1, bw2, bb2,
              tw0, tb0, tw1, tb1, tw2, tb2, tw3, tb3, tw4, tb4):
    # ---- bottom model ----
    # embedding lookup (joint table with per-field row offsets)
    offsets = (jnp.arange(NUM_FIELDS, dtype=jnp.int32) * VOCAB)[None, :]
    idx = categorical_inputs + offsets                      # [B, 26]
    emb = jnp.take(emb_table, idx, axis=0)                  # [B, 26, 64]
    # bottom MLP on dense features
    h = jax.nn.relu(numerical_input @ bw0 + bb0)
    h = jax.nn.relu(h @ bw1 + bb1)
    bottom_mlp_output = jax.nn.relu(h @ bw2 + bb2)          # [B, 64]
    # ---- dot interaction ----
    T = jnp.concatenate([bottom_mlp_output[:, None, :], emb], axis=1)  # [B, 27, 64]
    Z = jnp.einsum('bik,bjk->bij', T, T)                    # [B, 27, 27]
    inter = Z[:, _TRIL_I, _TRIL_J]                          # [B, 351]
    x = jnp.concatenate([bottom_mlp_output, inter], axis=-1)  # [B, 415]
    # ---- top MLP ----
    x = jax.nn.relu(x @ tw0 + tb0)
    x = jax.nn.relu(x @ tw1 + tb1)
    x = jax.nn.relu(x @ tw2 + tb2)
    x = jax.nn.relu(x @ tw3 + tb3)
    out = x @ tw4 + tb4                                     # [B, 1] logits
    return out

if __name__ == "__main__":
    import jax
    _d = setup_inputs()
    print(jax.jit(kernel)(*tuple(_d.values())))

</pallas_src>

<mosaic_0001>
#map = affine_map<(d0, d1) -> (0, 0)>
#map1 = affine_map<(d0, d1) -> (0, 0, 0)>
module attributes {stable_mosaic.version = 14 : i64} {
  func.func @k(%arg0: i32, %arg1: i32, %arg2: memref<655360x128xi32, #tpu.memory_space<hbm>>, %arg3: memref<32x26x128xi32, #tpu.memory_space<hbm>>, %arg4: memref<106496x128xi32, #tpu.memory_space<hbm>>, %arg5: memref<26x128xi32, #tpu.memory_space<vmem>>, %arg6: memref<128x128xi32, #tpu.memory_space<vmem>>, %arg7: memref<128x128xi32, #tpu.memory_space<vmem>>, %arg8: memref<!tpu.dma_semaphore, #tpu.memory_space<semaphore_mem>>, %arg9: memref<!tpu.dma_semaphore, #tpu.memory_space<semaphore_mem>>) attributes {dimension_semantics = [#tpu.dimension_semantics<core_parallel>, #tpu.dimension_semantics<subcore_parallel>], iteration_bounds = array<i64: 2, 16>, scalar_prefetch = 0 : i64, scratch_operands = 5 : i64, tpu.core_type = #tpu.core_type<sc_vector_subcore>, window_params = [{transform_indices = #map}, {transform_indices = #map1}, {transform_indices = #map}]} {
    %mul3A = arith.constant 2 : i32
    %mul3A_0 = arith.muli %arg1, %mul3A : i32
    %add3A = arith.addi %mul3A_0, %arg0 : i32
    %mul3A_1 = arith.constant 3328 : i32
    %mul3A_2 = arith.muli %add3A, %mul3A_1 : i32
    "tpu.region"() ({
      %run_scoped3A = tpu.sem_alloc : memref<!tpu.dma_semaphore, #tpu.memory_space<semaphore_mem>>
      %dma_start3A_15 = arith.constant 0 : i32
      %dma_start3A_16 = arith.constant 0 : i32
      %dma_start3A_17 = tpu.memref_slice %arg3[%add3A, %dma_start3A_15, %dma_start3A_16] : memref<32x26x128xi32, #tpu.memory_space<hbm>> -> memref<1x26x128xi32, #tpu.memory_space<hbm>>
      %dma_start3A_18 = tpu.memref_squeeze %dma_start3A_17 : memref<1x26x128xi32, #tpu.memory_space<hbm>> -> memref<26x128xi32, #tpu.memory_space<hbm>>
      %dma_start3A_19 = arith.constant 0 : i32
      %dma_start3A_20 = arith.constant 0 : i32
      %dma_start3A_21 = tpu.memref_slice %arg3[%add3A, %dma_start3A_19, %dma_start3A_20] : memref<32x26x128xi32, #tpu.memory_space<hbm>> -> memref<1x26x128xi32, #tpu.memory_space<hbm>>
      %dma_start3A_22 = tpu.memref_squeeze %dma_start3A_21 : memref<1x26x128xi32, #tpu.memory_space<hbm>> -> memref<26x128xi32, #tpu.memory_space<hbm>>
      tpu.enqueue_dma source(%dma_start3A_22 : memref<26x128xi32, #tpu.memory_space<hbm>>) target(%arg5 : memref<26x128xi32, #tpu.memory_space<vmem>>) target_semaphore(%run_scoped3A : memref<!tpu.dma_semaphore, #tpu.memory_space<semaphore_mem>>)
      %dma_wait3A = arith.constant 0 : i32
      %dma_wait3A_23 = arith.constant 0 : i32
      %dma_wait3A_24 = tpu.memref_slice %arg3[%add3A, %dma_wait3A, %dma_wait3A_23] : memref<32x26x128xi32, #tpu.memory_space<hbm>> -> memref<1x26x128xi32, #tpu.memory_space<hbm>>
      %dma_wait3A_25 = tpu.memref_squeeze %dma_wait3A_24 : memref<1x26x128xi32, #tpu.memory_space<hbm>> -> memref<26x128xi32, #tpu.memory_space<hbm>>
      %dma_wait3A_26 = arith.constant 0 : i32
      %dma_wait3A_27 = arith.constant 0 : i32
      %dma_wait3A_28 = tpu.memref_slice %arg3[%add3A, %dma_wait3A_26, %dma_wait3A_27] : memref<32x26x128xi32, #tpu.memory_space<hbm>> -> memref<1x26x128xi32, #tpu.memory_space<hbm>>
      %dma_wait3A_29 = tpu.memref_squeeze %dma_wait3A_28 : memref<1x26x128xi32, #tpu.memory_space<hbm>> -> memref<26x128xi32, #tpu.memory_space<hbm>>
      tpu.wait_dma2 semaphore(%run_scoped3A : memref<!tpu.dma_semaphore, #tpu.memory_space<semaphore_mem>>) src(%dma_wait3A_29 : memref<26x128xi32, #tpu.memory_space<hbm>>) dst(%arg5 : memref<26x128xi32, #tpu.memory_space<vmem>>)
      tpu.yield
    }) : () -> ()
    %dma_start3A = arith.constant 0 : i32
    %dma_start3A_3 = arith.constant 0 : i32
    %dma_start3A_4 = tpu.memref_slice %arg5[%dma_start3A, %dma_start3A_3] : memref<26x128xi32, #tpu.memory_space<vmem>> -> memref<1x128xi32, #tpu.memory_space<vmem>>
    %dma_start3A_5 = tpu.memref_squeeze %dma_start3A_4 : memref<1x128xi32, #tpu.memory_space<vmem>> -> memref<128xi32, #tpu.memory_space<vmem>>
    %dma_start3A_6 = arith.constant 0 : i32
    %dma_start3A_7 = arith.constant 0 : i32
    %dma_start3A_8 = tpu.memref_slice %arg2[%dma_start3A_6, %dma_start3A_7] : memref<655360x128xi32, #tpu.memory_space<hbm>> -> memref<655360x128xi32, #tpu.memory_space<hbm>>
    tpu.enqueue_indirect_dma source(%dma_start3A_8 : memref<655360x128xi32, #tpu.memory_space<hbm>>) target(%arg6 : memref<128x128xi32, #tpu.memory_space<vmem>>) offsets(%dma_start3A_5 : memref<128xi32, #tpu.memory_space<vmem>>) semaphore(%arg8 : memref<!tpu.dma_semaphore, #tpu.memory_space<semaphore_mem>>)
    %scan3A = arith.constant 0 : i32
    %scan3A_9 = arith.constant 0 : i32
    %scan3A_10 = arith.constant 13 : i32
    %scan3A_11 = arith.addi %scan3A_9, %scan3A_10 : i32
    %scan3A_12 = arith.constant 1 : i32
    %scan3A_13 = scf.for %scan3A_15 = %scan3A_9 to %scan3A_11 step %scan3A_12 iter_args(%scan3A_16 = %scan3A) -> (i32)  : i32 {
      %mul3A_17 = arith.constant 2 : i32
      %mul3A_18 = arith.muli %mul3A_17, %scan3A_15 : i32
      %add3A_19 = arith.constant 1 : i32
      %add3A_20 = arith.addi %mul3A_18, %add3A_19 : i32
      %dma_start3A_21 = arith.constant 0 : i32
      %dma_start3A_22 = tpu.memref_slice %arg5[%add3A_20, %dma_start3A_21] : memref<26x128xi32, #tpu.memory_space<vmem>> -> memref<1x128xi32, #tpu.memory_space<vmem>>
      %dma_start3A_23 = tpu.memref_squeeze %dma_start3A_22 : memref<1x128xi32, #tpu.memory_space<vmem>> -> memref<128xi32, #tpu.memory_space<vmem>>
      %dma_start3A_24 = arith.constant 0 : i32
      %dma_start3A_25 = arith.constant 0 : i32
      %dma_start3A_26 = tpu.memref_slice %arg2[%dma_start3A_24, %dma_start3A_25] : memref<655360x128xi32, #tpu.memory_space<hbm>> -> memref<655360x128xi32, #tpu.memory_space<hbm>>
      tpu.enqueue_indirect_dma source(%dma_start3A_26 : memref<655360x128xi32, #tpu.memory_space<hbm>>) target(%arg7 : memref<128x128xi32, #tpu.memory_space<vmem>>) offsets(%dma_start3A_23 : memref<128xi32, #tpu.memory_space<vmem>>) semaphore(%arg9 : memref<!tpu.dma_semaphore, #tpu.memory_space<semaphore_mem>>)
      %dma_wait3A = arith.constant 0 : i32
      %dma_wait3A_27 = tpu.memref_slice %arg5[%mul3A_18, %dma_wait3A] : memref<26x128xi32, #tpu.memory_space<vmem>> -> memref<1x128xi32, #tpu.memory_space<vmem>>
      %dma_wait3A_28 = tpu.memref_squeeze %dma_wait3A_27 : memref<1x128xi32, #tpu.memory_space<vmem>> -> memref<128xi32, #tpu.memory_space<vmem>>
      %dma_wait3A_29 = arith.constant 0 : i32
      %dma_wait3A_30 = arith.constant 0 : i32
      %dma_wait3A_31 = tpu.memref_slice %arg2[%dma_wait3A_29, %dma_wait3A_30] : memref<655360x128xi32, #tpu.memory_space<hbm>> -> memref<655360x128xi32, #tpu.memory_space<hbm>>
      tpu.wait_indirect_dma semaphore(%arg8 : memref<!tpu.dma_semaphore, #tpu.memory_space<semaphore_mem>>) src(%dma_wait3A_31 : memref<655360x128xi32, #tpu.memory_space<hbm>>) dst(%arg6 : memref<128x128xi32, #tpu.memory_space<vmem>>)
      %mul3A_32 = arith.constant 128 : i32
      %mul3A_33 = arith.muli %mul3A_18, %mul3A_32 : i32
      %add3A_34 = arith.addi %mul3A_2, %mul3A_33 : i32
      "tpu.region"() ({
        %run_scoped3A = tpu.sem_alloc : memref<!tpu.dma_semaphore, #tpu.memory_space<semaphore_mem>>
        %dma_start3A_53 = arith.constant 0 : i32
        %dma_start3A_54 = tpu.memref_slice %arg4[%add3A_34, %dma_start3A_53] : memref<106496x128xi32, #tpu.memory_space<hbm>> -> memref<128x128xi32, #tpu.memory_space<hbm>>
        %dma_start3A_55 = arith.constant 0 : i32
        %dma_start3A_56 = tpu.memref_slice %arg4[%add3A_34, %dma_start3A_55] : memref<106496x128xi32, #tpu.memory_space<hbm>> -> memref<128x128xi32, #tpu.memory_space<hbm>>
        tpu.enqueue_dma source(%arg6 : memref<128x128xi32, #tpu.memory_space<vmem>>) target(%dma_start3A_56 : memref<128x128xi32, #tpu.memory_space<hbm>>) target_semaphore(%run_scoped3A : memref<!tpu.dma_semaphore, #tpu.memory_space<semaphore_mem>>)
        %dma_wait3A_57 = arith.constant 0 : i32
        %dma_wait3A_58 = tpu.memref_slice %arg4[%add3A_34, %dma_wait3A_57] : memref<106496x128xi32, #tpu.memory_space<hbm>> -> memref<128x128xi32, #tpu.memory_space<hbm>>
        %dma_wait3A_59 = arith.constant 0 : i32
        %dma_wait3A_60 = tpu.memref_slice %arg4[%add3A_34, %dma_wait3A_59] : memref<106496x128xi32, #tpu.memory_space<hbm>> -> memref<128x128xi32, #tpu.memory_space<hbm>>
        tpu.wait_dma2 semaphore(%run_scoped3A : memref<!tpu.dma_semaphore, #tpu.memory_space<semaphore_mem>>) src(%arg6 : memref<128x128xi32, #tpu.memory_space<vmem>>) dst(%dma_wait3A_60 : memref<128x128xi32, #tpu.memory_space<hbm>>)
        tpu.yield
      }) : () -> ()
      %add3A_35 = arith.constant 2 : i32
      %add3A_36 = arith.addi %mul3A_18, %add3A_35 : i32
      %lt3A = arith.constant 26 : i32
      %lt3A_37 = arith.cmpi slt, %add3A_36, %lt3A : i32
      %convert_element_type3A = arith.extui %lt3A_37 : i1 to i32
      %cond3A = arith.constant 0 : i32
      %cond3A_38 = arith.cmpi ne, %convert_element_type3A, %cond3A : i32
      scf.if %cond3A_38 {
        %add3A_53 = arith.constant 2 : i32
        %add3A_54 = arith.addi %mul3A_18, %add3A_53 : i32
        %dma_start3A_55 = arith.constant 0 : i32
        %dma_start3A_56 = tpu.memref_slice %arg5[%add3A_54, %dma_start3A_55] : memref<26x128xi32, #tpu.memory_space<vmem>> -> memref<1x128xi32, #tpu.memory_space<vmem>>
        %dma_start3A_57 = tpu.memref_squeeze %dma_start3A_56 : memref<1x128xi32, #tpu.memory_space<vmem>> -> memref<128xi32, #tpu.memory_space<vmem>>
        %dma_start3A_58 = arith.constant 0 : i32
        %dma_start3A_59 = arith.constant 0 : i32
        %dma_start3A_60 = tpu.memref_slice %arg2[%dma_start3A_58, %dma_start3A_59] : memref<655360x128xi32, #tpu.memory_space<hbm>> -> memref<655360x128xi32, #tpu.memory_space<hbm>>
        tpu.enqueue_indirect_dma source(%dma_start3A_60 : memref<655360x128xi32, #tpu.memory_space<hbm>>) target(%arg6 : memref<128x128xi32, #tpu.memory_space<vmem>>) offsets(%dma_start3A_57 : memref<128xi32, #tpu.memory_space<vmem>>) semaphore(%arg8 : memref<!tpu.dma_semaphore, #tpu.memory_space<semaphore_mem>>)
      } else {
      }
      %add3A_39 = arith.constant 1 : i32
      %add3A_40 = arith.addi %mul3A_18, %add3A_39 : i32
      %dma_wait3A_41 = arith.constant 0 : i32
      %dma_wait3A_42 = tpu.memref_slice %arg5[%add3A_40, %dma_wait3A_41] : memref<26x128xi32, #tpu.memory_space<vmem>> -> memref<1x128xi32, #tpu.memory_space<vmem>>
      %dma_wait3A_43 = tpu.memref_squeeze %dma_wait3A_42 : memref<1x128xi32, #tpu.memory_space<vmem>> -> memref<128xi32, #tpu.memory_space<vmem>>
      %dma_wait3A_44 = arith.constant 0 : i32
      %dma_wait3A_45 = arith.constant 0 : i32
      %dma_wait3A_46 = tpu.memref_slice %arg2[%dma_wait3A_44, %dma_wait3A_45] : memref<655360x128xi32, #tpu.memory_space<hbm>> -> memref<655360x128xi32, #tpu.memory_space<hbm>>
      tpu.wait_indirect_dma semaphore(%arg9 : memref<!tpu.dma_semaphore, #tpu.memory_space<semaphore_mem>>) src(%dma_wait3A_46 : memref<655360x128xi32, #tpu.memory_space<hbm>>) dst(%arg7 : memref<128x128xi32, #tpu.memory_space<vmem>>)
      %add3A_47 = arith.constant 1 : i32
      %add3A_48 = arith.addi %mul3A_18, %add3A_47 : i32
      %mul3A_49 = arith.constant 128 : i32
      %mul3A_50 = arith.muli %add3A_48, %mul3A_49 : i32
      %add3A_51 = arith.addi %mul3A_2, %mul3A_50 : i32
      "tpu.region"() ({
        %run_scoped3A = tpu.sem_alloc : memref<!tpu.dma_semaphore, #tpu.memory_space<semaphore_mem>>
        %dma_start3A_53 = arith.constant 0 : i32
        %dma_start3A_54 = tpu.memref_slice %arg4[%add3A_51, %dma_start3A_53] : memref<106496x128xi32, #tpu.memory_space<hbm>> -> memref<128x128xi32, #tpu.memory_space<hbm>>
        %dma_start3A_55 = arith.constant 0 : i32
        %dma_start3A_56 = tpu.memref_slice %arg4[%add3A_51, %dma_start3A_55] : memref<106496x128xi32, #tpu.memory_space<hbm>> -> memref<128x128xi32, #tpu.memory_space<hbm>>
        tpu.enqueue_dma source(%arg7 : memref<128x128xi32, #tpu.memory_space<vmem>>) target(%dma_start3A_56 : memref<128x128xi32, #tpu.memory_space<hbm>>) target_semaphore(%run_scoped3A : memref<!tpu.dma_semaphore, #tpu.memory_space<semaphore_mem>>)
        %dma_wait3A_57 = arith.constant 0 : i32
        %dma_wait3A_58 = tpu.memref_slice %arg4[%add3A_51, %dma_wait3A_57] : memref<106496x128xi32, #tpu.memory_space<hbm>> -> memref<128x128xi32, #tpu.memory_space<hbm>>
        %dma_wait3A_59 = arith.constant 0 : i32
        %dma_wait3A_60 = tpu.memref_slice %arg4[%add3A_51, %dma_wait3A_59] : memref<106496x128xi32, #tpu.memory_space<hbm>> -> memref<128x128xi32, #tpu.memory_space<hbm>>
        tpu.wait_dma2 semaphore(%run_scoped3A : memref<!tpu.dma_semaphore, #tpu.memory_space<semaphore_mem>>) src(%arg7 : memref<128x128xi32, #tpu.memory_space<vmem>>) dst(%dma_wait3A_60 : memref<128x128xi32, #tpu.memory_space<hbm>>)
        tpu.yield
      }) : () -> ()
      %scan3A_52 = arith.constant 0 : i32
      scf.yield %scan3A_52 : i32
    }
    %scan3A_14 = arith.constant 13 : i32
    return
  }
}

module attributes {stable_mosaic.version = 14 : i64} {
  func.func @_pack_body(%arg0: i32, %arg1: memref<64x32768xf32, #tpu.memory_space<vmem>>, %arg2: memref<8192x128xi32, #tpu.memory_space<vmem>>) attributes {dimension_semantics = [#tpu.dimension_semantics<arbitrary>], iteration_bounds = array<i64: 80>, scalar_prefetch = 0 : i64, scratch_operands = 0 : i64, tpu.core_type = #tpu.core_type<tc>, window_params = [{transform_indices = @transform_0, window_bounds = array<i64: 64, 32768>}, {transform_indices = @transform_1, window_bounds = array<i64: 8192, 128>}]} {
    %get3A = arith.constant 0 : index
    %get3A_0 = arith.constant 0 : index
    %get3A_1 = vector.load %arg1[%get3A, %get3A_0] : memref<64x32768xf32, #tpu.memory_space<vmem>>, vector<64x32768xf32>
    %slice3A = vector.extract_strided_slice %get3A_1 {offsets = [0, 0], sizes = [64, 16384], strides = [1, 1]} : vector<64x32768xf32> to vector<64x16384xf32>
    %transpose3A = tpu.transpose %slice3A, [1, 0] : vector<64x16384xf32> -> vector<16384x64xf32>
    %convert_element_type3A = arith.truncf %transpose3A : vector<16384x64xf32> to vector<16384x64xbf16>
    %slice3A_2 = vector.extract_strided_slice %get3A_1 {offsets = [0, 16384], sizes = [64, 16384], strides = [1, 1]} : vector<64x32768xf32> to vector<64x16384xf32>
    %transpose3A_3 = tpu.transpose %slice3A_2, [1, 0] : vector<64x16384xf32> -> vector<16384x64xf32>
    %convert_element_type3A_4 = arith.truncf %transpose3A_3 : vector<16384x64xf32> to vector<16384x64xbf16>
    %concatenate3A = tpu.concatenate %convert_element_type3A, %convert_element_type3A_4 in 1 : vector<16384x64xbf16>, vector<16384x64xbf16> -> vector<16384x128xbf16>
    %bitcast3A = tpu.bitcast %concatenate3A : vector<16384x128xbf16> -> vector<8192x128xi32>
    %swap3A = arith.constant 0 : index
    %swap3A_5 = arith.constant 0 : index
    %swap3A_6 = vector.load %arg2[%swap3A, %swap3A_5] : memref<8192x128xi32, #tpu.memory_space<vmem>>, vector<8192x128xi32>
    tpu.vector_store %arg2[%swap3A, %swap3A_5], %bitcast3A {strides = array<i32>} : memref<8192x128xi32, #tpu.memory_space<vmem>>, vector<8192x128xi32>,
    return
  }
  func.func @transform_0(%arg0: i32) -> (i32, i32) {
    %c0_i32 = arith.constant 0 : i32
    %c0_i32_0 = arith.constant 0 : i32
    return %c0_i32, %arg0 : i32, i32
  }
  func.func @transform_1(%arg0: i32) -> (i32, i32) {
    %c0_i32 = arith.constant 0 : i32
    %c0_i32_0 = arith.constant 0 : i32
    return %arg0, %c0_i32 : i32, i32
  }
}

module attributes {stable_mosaic.version = 14 : i64} {
  func.func @_tc_body(%arg0: i32, %arg1: memref<256x13xf32, #tpu.memory_space<vmem>>, %arg2: memref<256x26x128xi32, #tpu.memory_space<vmem>>, %arg3: memref<256x26x64xf32, #tpu.memory_space<vmem>>, %arg4: memref<13x512xf32, #tpu.memory_space<vmem>>, %arg5: memref<1x512xf32, #tpu.memory_space<vmem>>, %arg6: memref<512x256xf32, #tpu.memory_space<vmem>>, %arg7: memref<1x256xf32, #tpu.memory_space<vmem>>, %arg8: memref<256x64xf32, #tpu.memory_space<vmem>>, %arg9: memref<1x64xf32, #tpu.memory_space<vmem>>, %arg10: memref<64x1024xf32, #tpu.memory_space<vmem>>, %arg11: memref<729x1024xf32, #tpu.memory_space<vmem>>, %arg12: memref<1x1024xf32, #tpu.memory_space<vmem>>, %arg13: memref<1024x1024xf32, #tpu.memory_space<vmem>>, %arg14: memref<1x1024xf32, #tpu.memory_space<vmem>>, %arg15: memref<1024x512xf32, #tpu.memory_space<vmem>>, %arg16: memref<1x512xf32, #tpu.memory_space<vmem>>, %arg17: memref<512x256xf32, #tpu.memory_space<vmem>>, %arg18: memref<1x256xf32, #tpu.memory_space<vmem>>, %arg19: memref<256x1xf32, #tpu.memory_space<vmem>>, %arg20: memref<1x1xf32, #tpu.memory_space<vmem>>, %arg21: memref<256x1xf32, #tpu.memory_space<vmem>>) attributes {dimension_semantics = [#tpu.dimension_semantics<arbitrary>], iteration_bounds = array<i64: 16>, scalar_prefetch = 0 : i64, scratch_operands = 0 : i64, tpu.core_type = #tpu.core_type<tc>, window_params = [{transform_indices = @transform_0, window_bounds = array<i64: 256, 13>}, {transform_indices = @transform_1, window_bounds = array<i64: 256, 26, 128>}, {transform_indices = @transform_2, window_bounds = array<i64: 256, 26, 64>}, {pipeline_mode = #tpu.pipeline_mode<synchronous>, transform_indices = @transform_3, window_bounds = array<i64: 13, 512>}, {pipeline_mode = #tpu.pipeline_mode<synchronous>, transform_indices = @transform_4, window_bounds = array<i64: 1, 512>}, {pipeline_mode = #tpu.pipeline_mode<synchronous>, transform_indices = @transform_5, window_bounds = array<i64: 512, 256>}, {pipeline_mode = #tpu.pipeline_mode<synchronous>, transform_indices = @transform_6, window_bounds = array<i64: 1, 256>}, {pipeline_mode = #tpu.pipeline_mode<synchronous>, transform_indices = @transform_7, window_bounds = array<i64: 256, 64>}, {pipeline_mode = #tpu.pipeline_mode<synchronous>, transform_indices = @transform_8, window_bounds = array<i64: 1, 64>}, {pipeline_mode = #tpu.pipeline_mode<synchronous>, transform_indices = @transform_9, window_bounds = array<i64: 64, 1024>}, {pipeline_mode = #tpu.pipeline_mode<synchronous>, transform_indices = @transform_10, window_bounds = array<i64: 729, 1024>}, {pipeline_mode = #tpu.pipeline_mode<synchronous>, transform_indices = @transform_11, window_bounds = array<i64: 1, 1024>}, {pipeline_mode = #tpu.pipeline_mode<synchronous>, transform_indices = @transform_12, window_bounds = array<i64: 1024, 1024>}, {pipeline_mode = #tpu.pipeline_mode<synchronous>, transform_indices = @transform_13, window_bounds = array<i64: 1, 1024>}, {pipeline_mode = #tpu.pipeline_mode<synchronous>, transform_indices = @transform_14, window_bounds = array<i64: 1024, 512>}, {pipeline_mode = #tpu.pipeline_mode<synchronous>, transform_indices = @transform_15, window_bounds = array<i64: 1, 512>}, {pipeline_mode = #tpu.pipeline_mode<synchronous>, transform_indices = @transform_16, window_bounds = array<i64: 512, 256>}, {pipeline_mode = #tpu.pipeline_mode<synchronous>, transform_indices = @transform_17, window_bounds = array<i64: 1, 256>}, {pipeline_mode = #tpu.pipeline_mode<synchronous>, transform_indices = @transform_18, window_bounds = array<i64: 256, 1>}, {pipeline_mode = #tpu.pipeline_mode<synchronous>, transform_indices = @transform_19, window_bounds = array<i64: 1, 1>}, {transform_indices = @transform_20, window_bounds = array<i64: 256, 1>}]} {
    %get3A = arith.constant 0 : index
    %get3A_0 = arith.constant 0 : index
    %get3A_1 = vector.load %arg1[%get3A, %get3A_0] : memref<256x13xf32, #tpu.memory_space<vmem>>, vector<256x13xf32>
    %get3A_2 = arith.constant 0 : index
    %get3A_3 = arith.constant 0 : index
    %get3A_4 = vector.load %arg4[%get3A_2, %get3A_3] : memref<13x512xf32, #tpu.memory_space<vmem>>, vector<13x512xf32>
    %dot_general3A = arith.constant dense<0.000000e+00> : vector<256x512xf32>
    %dot_general3A_5 = tpu.matmul %get3A_1, %get3A_4, %dot_general3A {dimension_numbers = #tpu.dot_dimension_numbers<[1], [0], [0], [1], [0, 0, 1, 1], [], []>, transpose_lhs_hint = false} : vector<256x13xf32>, vector<13x512xf32>, vector<256x512xf32> -> vector<256x512xf32>
    %get3A_6 = arith.constant 0 : index
    %get3A_7 = arith.constant 0 : index
    %get3A_8 = vector.load %arg5[%get3A_6, %get3A_7] : memref<1x512xf32, #tpu.memory_space<vmem>>, vector<1x512xf32>
    %add3A = vector.broadcast %get3A_8 : vector<1x512xf32> to vector<256x512xf32>
    %add3A_9 = arith.addf %dot_general3A_5, %add3A : vector<256x512xf32>
    %max3A = arith.constant 0.000000e+00 : f32
    %max3A_10 = vector.broadcast %max3A : f32 to vector<256x512xf32>
    %max3A_11 = arith.maximumf %add3A_9, %max3A_10 : vector<256x512xf32>
    %get3A_12 = arith.constant 0 : index
    %get3A_13 = arith.constant 0 : index
    %get3A_14 = vector.load %arg6[%get3A_12, %get3A_13] : memref<512x256xf32, #tpu.memory_space<vmem>>, vector<512x256xf32>
    %dot_general3A_15 = arith.constant dense<0.000000e+00> : vector<256x256xf32>
    %dot_general3A_16 = tpu.matmul %max3A_11, %get3A_14, %dot_general3A_15 {dimension_numbers = #tpu.dot_dimension_numbers<[1], [0], [0], [1], [0, 0, 1, 1], [], []>, transpose_lhs_hint = false} : vector<256x512xf32>, vector<512x256xf32>, vector<256x256xf32> -> vector<256x256xf32>
    %get3A_17 = arith.constant 0 : index
    %get3A_18 = arith.constant 0 : index
    %get3A_19 = vector.load %arg7[%get3A_17, %get3A_18] : memref<1x256xf32, #tpu.memory_space<vmem>>, vector<1x256xf32>
    %add3A_20 = vector.broadcast %get3A_19 : vector<1x256xf32> to vector<256x256xf32>
    %add3A_21 = arith.addf %dot_general3A_16, %add3A_20 : vector<256x256xf32>
    %max3A_22 = arith.constant 0.000000e+00 : f32
    %max3A_23 = vector.broadcast %max3A_22 : f32 to vector<256x256xf32>
    %max3A_24 = arith.maximumf %add3A_21, %max3A_23 : vector<256x256xf32>
    %get3A_25 = arith.constant 0 : index
    %get3A_26 = arith.constant 0 : index
    %get3A_27 = vector.load %arg8[%get3A_25, %get3A_26] : memref<256x64xf32, #tpu.memory_space<vmem>>, vector<256x64xf32>
    %dot_general3A_28 = arith.constant dense<0.000000e+00> : vector<256x64xf32>
    %dot_general3A_29 = tpu.matmul %max3A_24, %get3A_27, %dot_general3A_28 {dimension_numbers = #tpu.dot_dimension_numbers<[1], [0], [0], [1], [0, 0, 1, 1], [], []>, transpose_lhs_hint = false} : vector<256x256xf32>, vector<256x64xf32>, vector<256x64xf32> -> vector<256x64xf32>
    %get3A_30 = arith.constant 0 : index
    %get3A_31 = arith.constant 0 : index
    %get3A_32 = vector.load %arg9[%get3A_30, %get3A_31] : memref<1x64xf32, #tpu.memory_space<vmem>>, vector<1x64xf32>
    %add3A_33 = vector.broadcast %get3A_32 : vector<1x64xf32> to vector<256x64xf32>
    %add3A_34 = arith.addf %dot_general3A_29, %add3A_33 : vector<256x64xf32>
    %max3A_35 = arith.constant 0.000000e+00 : f32
    %max3A_36 = vector.broadcast %max3A_35 : f32 to vector<256x64xf32>
    %max3A_37 = arith.maximumf %add3A_34, %max3A_36 : vector<256x64xf32>
    %get3A_38 = arith.constant 0 : index
    %get3A_39 = arith.constant 0 : index
    %get3A_40 = arith.constant 0 : index
    %get3A_41 = vector.load %arg2[%get3A_38, %get3A_39, %get3A_40] : memref<256x26x128xi32, #tpu.memory_space<vmem>>, vector<256x26x128xi32>
    %get3A_42 = arith.constant 0 : index
    %get3A_43 = arith.constant 0 : index
    %get3A_44 = arith.constant 0 : index
    %get3A_45 = vector.load %arg3[%get3A_42, %get3A_43, %get3A_44] : memref<256x26x64xf32, #tpu.memory_space<vmem>>, vector<256x26x64xf32>
    %ge3A = arith.constant 1.500000e+00 : f32
    %ge3A_46 = vector.broadcast %ge3A : f32 to vector<256x26x64xf32>
    %ge3A_47 = arith.cmpf oge, %get3A_45, %ge3A_46 : vector<256x26x64xf32>
    %slice3A = vector.extract_strided_slice %get3A_41 {offsets = [0, 0, 64], sizes = [256, 26, 64], strides = [1, 1, 1]} : vector<256x26x128xi32> to vector<256x26x64xi32>
    %slice3A_48 = vector.extract_strided_slice %get3A_41 {offsets = [0, 0, 0], sizes = [256, 26, 64], strides = [1, 1, 1]} : vector<256x26x128xi32> to vector<256x26x64xi32>
    %select_n3A = arith.select %ge3A_47, %slice3A, %slice3A_48 : vector<256x26x64xi1>, vector<256x26x64xi32>
    %eq3A = arith.constant 1.000000e+00 : f32
    %eq3A_49 = vector.broadcast %eq3A : f32 to vector<256x26x64xf32>
    %eq3A_50 = arith.cmpf oeq, %get3A_45, %eq3A_49 : vector<256x26x64xf32>
    %eq3A_51 = arith.constant 3.000000e+00 : f32
    %eq3A_52 = vector.broadcast %eq3A_51 : f32 to vector<256x26x64xf32>
    %eq3A_53 = arith.cmpf oeq, %get3A_45, %eq3A_52 : vector<256x26x64xf32>
    %or3A = arith.ori %eq3A_50, %eq3A_53 : vector<256x26x64xi1>
    %and3A = arith.constant -65536 : i32
    %and3A_54 = vector.broadcast %and3A : i32 to vector<256x26x64xi32>
    %and3A_55 = arith.andi %select_n3A, %and3A_54 : vector<256x26x64xi32>
    %shift_left3A = arith.constant 16 : i32
    %shift_left3A_56 = vector.broadcast %shift_left3A : i32 to vector<256x26x64xi32>
    %shift_left3A_57 = arith.shli %select_n3A, %shift_left3A_56 : vector<256x26x64xi32>
    %select_n3A_58 = arith.select %or3A, %and3A_55, %shift_left3A_57 : vector<256x26x64xi1>, vector<256x26x64xi32>
    %bitcast_convert_type3A = tpu.bitcast %select_n3A_58 : vector<256x26x64xi32> -> vector<256x26x64xf32>
    %broadcast_in_dim3A = vector.shape_cast %max3A_37 : vector<256x64xf32> to vector<256x1x64xf32>
    %concatenate3A = tpu.concatenate %broadcast_in_dim3A, %bitcast_convert_type3A in 1 : vector<256x1x64xf32>, vector<256x26x64xf32> -> vector<256x27x64xf32>
    %dot_general3A_59 = arith.constant dense<0.000000e+00> : vector<256x27x27xf32>
    %dot_general3A_60 = tpu.matmul %concatenate3A, %concatenate3A, %dot_general3A_59 {dimension_numbers = #tpu.dot_dimension_numbers<[2], [2], [1], [1], [0, 0, 0, 1, 1, 1], [0], [0]>, transpose_lhs_hint = false} : vector<256x27x64xf32>, vector<256x27x64xf32>, vector<256x27x27xf32> -> vector<256x27x27xf32>
    %reshape3A = vector.shape_cast %dot_general3A_60 : vector<256x27x27xf32> to vector<256x729xf32>
    %get3A_61 = arith.constant 0 : index
    %get3A_62 = arith.constant 0 : index
    %get3A_63 = vector.load %arg10[%get3A_61, %get3A_62] : memref<64x1024xf32, #tpu.memory_space<vmem>>, vector<64x1024xf32>
    %dot_general3A_64 = arith.constant dense<0.000000e+00> : vector<256x1024xf32>
    %dot_general3A_65 = tpu.matmul %max3A_37, %get3A_63, %dot_general3A_64 {dimension_numbers = #tpu.dot_dimension_numbers<[1], [0], [0], [1], [0, 0, 1, 1], [], []>, transpose_lhs_hint = false} : vector<256x64xf32>, vector<64x1024xf32>, vector<256x1024xf32> -> vector<256x1024xf32>
    %get3A_66 = arith.constant 0 : index
    %get3A_67 = arith.constant 0 : index
    %get3A_68 = vector.load %arg11[%get3A_66, %get3A_67] : memref<729x1024xf32, #tpu.memory_space<vmem>>, vector<729x1024xf32>
    %dot_general3A_69 = arith.constant dense<0.000000e+00> : vector<256x1024xf32>
    %dot_general3A_70 = tpu.matmul %reshape3A, %get3A_68, %dot_general3A_69 {dimension_numbers = #tpu.dot_dimension_numbers<[1], [0], [0], [1], [0, 0, 1, 1], [], []>, transpose_lhs_hint = false} : vector<256x729xf32>, vector<729x1024xf32>, vector<256x1024xf32> -> vector<256x1024xf32>
    %add3A_71 = arith.addf %dot_general3A_65, %dot_general3A_70 : vector<256x1024xf32>
    %get3A_72 = arith.constant 0 : index
    %get3A_73 = arith.constant 0 : index
    %get3A_74 = vector.load %arg12[%get3A_72, %get3A_73] : memref<1x1024xf32, #tpu.memory_space<vmem>>, vector<1x1024xf32>
    %add3A_75 = vector.broadcast %get3A_74 : vector<1x1024xf32> to vector<256x1024xf32>
    %add3A_76 = arith.addf %add3A_71, %add3A_75 : vector<256x1024xf32>
    %max3A_77 = arith.constant 0.000000e+00 : f32
    %max3A_78 = vector.broadcast %max3A_77 : f32 to vector<256x1024xf32>
    %max3A_79 = arith.maximumf %add3A_76, %max3A_78 : vector<256x1024xf32>
    %get3A_80 = arith.constant 0 : index
    %get3A_81 = arith.constant 0 : index
    %get3A_82 = vector.load %arg13[%get3A_80, %get3A_81] : memref<1024x1024xf32, #tpu.memory_space<vmem>>, vector<1024x1024xf32>
    %dot_general3A_83 = arith.constant dense<0.000000e+00> : vector<256x1024xf32>
    %dot_general3A_84 = tpu.matmul %max3A_79, %get3A_82, %dot_general3A_83 {dimension_numbers = #tpu.dot_dimension_numbers<[1], [0], [0], [1], [0, 0, 1, 1], [], []>, transpose_lhs_hint = false} : vector<256x1024xf32>, vector<1024x1024xf32>, vector<256x1024xf32> -> vector<256x1024xf32>
    %get3A_85 = arith.constant 0 : index
    %get3A_86 = arith.constant 0 : index
    %get3A_87 = vector.load %arg14[%get3A_85, %get3A_86] : memref<1x1024xf32, #tpu.memory_space<vmem>>, vector<1x1024xf32>
    %add3A_88 = vector.broadcast %get3A_87 : vector<1x1024xf32> to vector<256x1024xf32>
    %add3A_89 = arith.addf %dot_general3A_84, %add3A_88 : vector<256x1024xf32>
    %max3A_90 = arith.constant 0.000000e+00 : f32
    %max3A_91 = vector.broadcast %max3A_90 : f32 to vector<256x1024xf32>
    %max3A_92 = arith.maximumf %add3A_89, %max3A_91 : vector<256x1024xf32>
    %get3A_93 = arith.constant 0 : index
    %get3A_94 = arith.constant 0 : index
    %get3A_95 = vector.load %arg15[%get3A_93, %get3A_94] : memref<1024x512xf32, #tpu.memory_space<vmem>>, vector<1024x512xf32>
    %dot_general3A_96 = arith.constant dense<0.000000e+00> : vector<256x512xf32>
    %dot_general3A_97 = tpu.matmul %max3A_92, %get3A_95, %dot_general3A_96 {dimension_numbers = #tpu.dot_dimension_numbers<[1], [0], [0], [1], [0, 0, 1, 1], [], []>, transpose_lhs_hint = false} : vector<256x1024xf32>, vector<1024x512xf32>, vector<256x512xf32> -> vector<256x512xf32>
    %get3A_98 = arith.constant 0 : index
    %get3A_99 = arith.constant 0 : index
    %get3A_100 = vector.load %arg16[%get3A_98, %get3A_99] : memref<1x512xf32, #tpu.memory_space<vmem>>, vector<1x512xf32>
    %add3A_101 = vector.broadcast %get3A_100 : vector<1x512xf32> to vector<256x512xf32>
    %add3A_102 = arith.addf %dot_general3A_97, %add3A_101 : vector<256x512xf32>
    %max3A_103 = arith.constant 0.000000e+00 : f32
    %max3A_104 = vector.broadcast %max3A_103 : f32 to vector<256x512xf32>
    %max3A_105 = arith.maximumf %add3A_102, %max3A_104 : vector<256x512xf32>
    %get3A_106 = arith.constant 0 : index
    %get3A_107 = arith.constant 0 : index
    %get3A_108 = vector.load %arg17[%get3A_106, %get3A_107] : memref<512x256xf32, #tpu.memory_space<vmem>>, vector<512x256xf32>
    %dot_general3A_109 = arith.constant dense<0.000000e+00> : vector<256x256xf32>
    %dot_general3A_110 = tpu.matmul %max3A_105, %get3A_108, %dot_general3A_109 {dimension_numbers = #tpu.dot_dimension_numbers<[1], [0], [0], [1], [0, 0, 1, 1], [], []>, transpose_lhs_hint = false} : vector<256x512xf32>, vector<512x256xf32>, vector<256x256xf32> -> vector<256x256xf32>
    %get3A_111 = arith.constant 0 : index
    %get3A_112 = arith.constant 0 : index
    %get3A_113 = vector.load %arg18[%get3A_111, %get3A_112] : memref<1x256xf32, #tpu.memory_space<vmem>>, vector<1x256xf32>
    %add3A_114 = vector.broadcast %get3A_113 : vector<1x256xf32> to vector<256x256xf32>
    %add3A_115 = arith.addf %dot_general3A_110, %add3A_114 : vector<256x256xf32>
    %max3A_116 = arith.constant 0.000000e+00 : f32
    %max3A_117 = vector.broadcast %max3A_116 : f32 to vector<256x256xf32>
    %max3A_118 = arith.maximumf %add3A_115, %max3A_117 : vector<256x256xf32>
    %get3A_119 = arith.constant 0 : index
    %get3A_120 = arith.constant 0 : index
    %get3A_121 = vector.load %arg19[%get3A_119, %get3A_120] : memref<256x1xf32, #tpu.memory_space<vmem>>, vector<256x1xf32>
    %dot_general3A_122 = arith.constant dense<0.000000e+00> : vector<256x1xf32>
    %dot_general3A_123 = tpu.matmul %max3A_118, %get3A_121, %dot_general3A_122 {dimension_numbers = #tpu.dot_dimension_numbers<[1], [0], [0], [1], [0, 0, 1, 1], [], []>, transpose_lhs_hint = false} : vector<256x256xf32>, vector<256x1xf32>, vector<256x1xf32> -> vector<256x1xf32>
    %get3A_124 = arith.constant 0 : index
    %get3A_125 = arith.constant 0 : index
    %get3A_126 = vector.load %arg20[%get3A_124, %get3A_125] : memref<1x1xf32, #tpu.memory_space<vmem>>, vector<1x1xf32>
    %add3A_127 = vector.broadcast %get3A_126 : vector<1x1xf32> to vector<256x1xf32>
    %add3A_128 = arith.addf %dot_general3A_123, %add3A_127 : vector<256x1xf32>
    %swap3A = arith.constant 0 : index
    %swap3A_129 = arith.constant 0 : index
    %swap3A_130 = vector.load %arg21[%swap3A, %swap3A_129] : memref<256x1xf32, #tpu.memory_space<vmem>>, vector<256x1xf32>
    tpu.vector_store %arg21[%swap3A, %swap3A_129], %add3A_128 {strides = array<i32>} : memref<256x1xf32, #tpu.memory_space<vmem>>, vector<256x1xf32>,
    return
  }
  func.func @transform_0(%arg0: i32) -> (i32, i32) {
    %c0_i32 = arith.constant 0 : i32
    %c0_i32_0 = arith.constant 0 : i32
    return %arg0, %c0_i32 : i32, i32
  }
  func.func @transform_1(%arg0: i32) -> (i32, i32, i32) {
    %c0_i32 = arith.constant 0 : i32
    %c0_i32_0 = arith.constant 0 : i32
    %c0_i32_1 = arith.constant 0 : i32
    return %arg0, %c0_i32, %c0_i32_0 : i32, i32, i32
  }
  func.func @transform_2(%arg0: i32) -> (i32, i32, i32) {
    %c0_i32 = arith.constant 0 : i32
    %c0_i32_0 = arith.constant 0 : i32
    %c0_i32_1 = arith.constant 0 : i32
    return %arg0, %c0_i32, %c0_i32_0 : i32, i32, i32
  }
  func.func @transform_3(%arg0: i32) -> (i32, i32) {
    %c0_i32 = arith.constant 0 : i32
    %c0_i32_0 = arith.constant 0 : i32
    %c0_i32_1 = arith.constant 0 : i32
    return %c0_i32, %c0_i32_0 : i32, i32
  }
  func.func @transform_4(%arg0: i32) -> (i32, i32) {
    %c0_i32 = arith.constant 0 : i32
    %c0_i32_0 = arith.constant 0 : i32
    %c0_i32_1 = arith.constant 0 : i32
    return %c0_i32, %c0_i32_0 : i32, i32
  }
  func.func @transform_5(%arg0: i32) -> (i32, i32) {
    %c0_i32 = arith.constant 0 : i32
    %c0_i32_0 = arith.constant 0 : i32
    %c0_i32_1 = arith.constant 0 : i32
    return %c0_i32, %c0_i32_0 : i32, i32
  }
  func.func @transform_6(%arg0: i32) -> (i32, i32) {
    %c0_i32 = arith.constant 0 : i32
    %c0_i32_0 = arith.constant 0 : i32
    %c0_i32_1 = arith.constant 0 : i32
    return %c0_i32, %c0_i32_0 : i32, i32
  }
  func.func @transform_7(%arg0: i32) -> (i32, i32) {
    %c0_i32 = arith.constant 0 : i32
    %c0_i32_0 = arith.constant 0 : i32
    %c0_i32_1 = arith.constant 0 : i32
    return %c0_i32, %c0_i32_0 : i32, i32
  }
  func.func @transform_8(%arg0: i32) -> (i32, i32) {
    %c0_i32 = arith.constant 0 : i32
    %c0_i32_0 = arith.constant 0 : i32
    %c0_i32_1 = arith.constant 0 : i32
    return %c0_i32, %c0_i32_0 : i32, i32
  }
  func.func @transform_9(%arg0: i32) -> (i32, i32) {
    %c0_i32 = arith.constant 0 : i32
    %c0_i32_0 = arith.constant 0 : i32
    %c0_i32_1 = arith.constant 0 : i32
    return %c0_i32, %c0_i32_0 : i32, i32
  }
  func.func @transform_10(%arg0: i32) -> (i32, i32) {
    %c0_i32 = arith.constant 0 : i32
    %c0_i32_0 = arith.constant 0 : i32
    %c0_i32_1 = arith.constant 0 : i32
    return %c0_i32, %c0_i32_0 : i32, i32
  }
  func.func @transform_11(%arg0: i32) -> (i32, i32) {
    %c0_i32 = arith.constant 0 : i32
    %c0_i32_0 = arith.constant 0 : i32
    %c0_i32_1 = arith.constant 0 : i32
    return %c0_i32, %c0_i32_0 : i32, i32
  }
  func.func @transform_12(%arg0: i32) -> (i32, i32) {
    %c0_i32 = arith.constant 0 : i32
    %c0_i32_0 = arith.constant 0 : i32
    %c0_i32_1 = arith.constant 0 : i32
    return %c0_i32, %c0_i32_0 : i32, i32
  }
  func.func @transform_13(%arg0: i32) -> (i32, i32) {
    %c0_i32 = arith.constant 0 : i32
    %c0_i32_0 = arith.constant 0 : i32
    %c0_i32_1 = arith.constant 0 : i32
    return %c0_i32, %c0_i32_0 : i32, i32
  }
  func.func @transform_14(%arg0: i32) -> (i32, i32) {
    %c0_i32 = arith.constant 0 : i32
    %c0_i32_0 = arith.constant 0 : i32
    %c0_i32_1 = arith.constant 0 : i32
    return %c0_i32, %c0_i32_0 : i32, i32
  }
  func.func @transform_15(%arg0: i32) -> (i32, i32) {
    %c0_i32 = arith.constant 0 : i32
    %c0_i32_0 = arith.constant 0 : i32
    %c0_i32_1 = arith.constant 0 : i32
    return %c0_i32, %c0_i32_0 : i32, i32
  }
  func.func @transform_16(%arg0: i32) -> (i32, i32) {
    %c0_i32 = arith.constant 0 : i32
    %c0_i32_0 = arith.constant 0 : i32
    %c0_i32_1 = arith.constant 0 : i32
    return %c0_i32, %c0_i32_0 : i32, i32
  }
  func.func @transform_17(%arg0: i32) -> (i32, i32) {
    %c0_i32 = arith.constant 0 : i32
    %c0_i32_0 = arith.constant 0 : i32
    %c0_i32_1 = arith.constant 0 : i32
    return %c0_i32, %c0_i32_0 : i32, i32
  }
  func.func @transform_18(%arg0: i32) -> (i32, i32) {
    %c0_i32 = arith.constant 0 : i32
    %c0_i32_0 = arith.constant 0 : i32
    %c0_i32_1 = arith.constant 0 : i32
    return %c0_i32, %c0_i32_0 : i32, i32
  }
  func.func @transform_19(%arg0: i32) -> (i32, i32) {
    %c0_i32 = arith.constant 0 : i32
    %c0_i32_0 = arith.constant 0 : i32
    %c0_i32_1 = arith.constant 0 : i32
    return %c0_i32, %c0_i32_0 : i32, i32
  }
  func.func @transform_20(%arg0: i32) -> (i32, i32) {
    %c0_i32 = arith.constant 0 : i32
    %c0_i32_0 = arith.constant 0 : i32
    return %arg0, %c0_i32 : i32, i32
  }
}

</mosaic_0001>

<sc_bundles>
// kernel: kernel.5.cloned.1.call-start
scs
__scs_entry_jumppad:
0x0: {  	(pc) =	sbr.rel $0x88, $3  }
0x1: {  	(tag) =	ssettag $0x0;
	lr =	simm.s32 $0x1  }
0x2: {  	[smem:$0x3F8E] =	sst lr;
	_ =	strace $0xD0000000  }
0x3: {  	_ = 	snop  }
0x4: {  	_ = 	snop  }
0x5: {  	_ = 	snop  }
0x6: {  	_ = 	snop  }
0x7: {  	_ = 	snop  }
__scs_overlays_trampoline_lowered:
0x8: {  	[smem:$0x3F9D] =	sst s0  }
0x9: {  	[smem:$0x3F9E] =	sst s1  }
0xa: {  	[smem:$0x3F9F] =	sst s2  }
0xb: {  	[smem:$0x3FA0] =	sst s3  }
0xc: {  	[smem:$0x3FA1] =	sst s4  }
0xd: {  	[smem:$0x3FA2] =	sst s5  }
0xe: {  	[smem:$0x3FA3] =	sst s6  }
0xf: {  	[smem:$0x3FA4] =	sst s7  }
0x10: {  	[smem:$0x3FA5] =	sst s8  }
0x11: {  	[smem:$0x3FA6] =	sst s9;
	s0 =	simm.s32 @!p0 $0x0  }
0x12: {  	s1 =	sld [smem:$0x3F8C];
	s0 =	simm.s32 @p0 $0x1  }
0x13: {  	[smem:$0x3FA7] =	sst s0;
	s0 =	simm.s32 @!p1 $0x0  }
0x14: {  	s2 =	sld [smem:$0x3F8B];
	s0 =	simm.s32 @p1 $0x1  }
0x15: {  	[smem:$0x3FA8] =	sst s0;
	s0 =	simm.s32 @!p2 $0x0  }
0x16: {  	s3 =	sld [smem:$0x3FDB];
	s0 =	simm.s32 @p2 $0x1  }
0x17: {  	s4 =	simm.s32 $0x1BF5;
	[smem:$0x3FAA] =	sst s0  }
0x18: {  	s0 =	sld [smem:$0x3F8D];
	_ =	swait.ge [sflag:s4], $0x0  }
0x19: {  	s7 =	sld [smem:$0x3F8E]  }
0x1a: {  	s8 =	sadd.s32 $0xFFFFE003, lr  }
0x1b: {  	s9 =	sadd.s32 $0xFFFFFEF7, lr;
	s5 =	simm.s32 $0xFFFFFFFF;
	p2 =	slt.u32 s8, $0xFFFFF086  }
0x1c: {  	p1 =	slt.u32 s9, $0xF7A;
	s5 =	simm.s32 @!p2 $0x0  }
0x1d: {  	s5 =	simm.s32 @p1 $0x1;
	p0 =	seq.s32 s7, s2  }
0x1e: {  	s7 =	smul.u32 @!p0 $0xF7A, s2;
	p2 =	seq.s32 @!p0 s5, $0x0  }
0x1f: {  	s9 =	smul.u32 $0xF7A, s1;
	s8 =	simm.s32 @!p0 $0x1BF5;
	p2 =	por !p2, p0  }
0x20: {  	[sflag:s8] =	ssyncset.s32 @!p0 $0xFFFFF086;
	s6 =	sadd.s32 @!p0 s3, s7;
	s7 =	simm.s32 @!p0 $0x108  }
0x21: {  	s3 =	sadd.s32 s3, s9;
	s6 =	sadd.s32 @!p0 $0x88, s6;
	s7 =	simm.s32 @p2 $0x1082  }
0x22: {  	[simem:s7], [sflag:s8] =	dma.local @!p0 [hbm:s6], $0xF7A  }
0x23: {  	s9 =	sor.u32 $0xD0000000, s2;
	s6 =	simm.s32 $0x108;
	_ =	swait.ge @!p0 [sflag:s8], $0x0  }
0x24: {  	s3 =	sadd.s32 $0x88, s3;
	s6 =	simm.s32 @!p1 $0x1082;
	[sflag:s4] =	ssyncset.s32 $0xFFFFF086  }
0x25: {  	[simem:s6], [sflag:s4] =	dma.local [hbm:s3], $0xF7A  }
0x26: {  	[smem:$0x3F8E] =	sst s1;
	(tag) =	ssettag s2;
	_ =	strace s9  }
0x27: {  	s1 =	sld [smem:$0x3F9E]  }
0x28: {  	s2 =	sld [smem:$0x3F9F]  }
0x29: {  	s4 =	sld [smem:$0x3FA1]  }
0x2a: {  	p0 =	seq.s32 s5, $0x0;
	s5 =	sld [smem:$0x3FA2]  }
0x2b: {  	s6 =	sld [smem:$0x3FA3]  }
0x2c: {  	s7 =	sld [smem:$0x3FA4]  }
0x2d: {  	s3 =	simm.s32 $0x108;
	s8 =	sld [smem:$0x3FA5]  }
0x2e: {  	s3 =	simm.s32 @!p0 $0x1082;
	s9 =	sld [smem:$0x3FA6]  }
0x2f: {  	lr =	sadd.s32 s0, s3;
	s0 =	sld [smem:$0x3F9D]  }
0x30: {  	s3 =	sld [smem:$0x3FA0]  }
0x31: {  	[smem:$0x3FA9] =	sst s10  }
0x32: {  	s10 =	sld [smem:$0x3FA7];
	_ =	sdelay $0x3  }
0x33: {  	p0 =	seq.s32 s10, $0x1;
	s10 =	sld [smem:$0x3FA9];
	_ =	sdelay $0x3  }
0x34: {  	[smem:$0x3FA9] =	sst s10  }
0x35: {  	s10 =	sld [smem:$0x3FA8];
	_ =	sdelay $0x3  }
0x36: {  	p1 =	seq.s32 s10, $0x1;
	s10 =	sld [smem:$0x3FA9];
	_ =	sdelay $0x3  }
0x37: {  	[smem:$0x3FA9] =	sst s10  }
0x38: {  	s10 =	sld [smem:$0x3FAA]  }
0x39: {  	_ = 	snop;
	(pc) =	sbr.ind lr, $3  }
0x3a: {  	_ = 	snop  }
0x3b: {  	_ = 	snop  }
0x3c: {  	p2 =	seq.s32 s10, $0x1;
	s10 =	sld [smem:$0x3FA9]  }
0x3d: {  	_ =	shalt  }
0x3e: {  	_ =	shalt  }
0x3f: {  	_ =	shalt  }
0x40: {  	_ =	shalt  }
0x41: {  	_ =	shalt  }
0x42: {  	_ =	shalt  }
0x43: {  	_ =	shalt  }
0x44: {  	_ =	shalt  }
0x45: {  	_ =	shalt  }
0x46: {  	_ =	shalt  }
0x47: {  	_ =	shalt  }
0x48: {  	_ =	shalt  }
0x49: {  	_ =	shalt  }
0x4a: {  	_ =	shalt  }
0x4b: {  	_ =	shalt  }
0x4c: {  	_ =	shalt  }
0x4d: {  	_ =	shalt  }
0x4e: {  	_ =	shalt  }
0x4f: {  	_ =	shalt  }
0x50: {  	_ =	shalt  }
0x51: {  	_ =	shalt  }
0x52: {  	_ =	shalt  }
0x53: {  	_ =	shalt  }
0x54: {  	_ =	shalt  }
0x55: {  	_ =	shalt  }
0x56: {  	_ =	shalt  }
0x57: {  	_ =	shalt  }
0x58: {  	_ =	shalt  }
0x59: {  	_ =	shalt  }
0x5a: {  	_ =	shalt  }
0x5b: {  	_ =	shalt  }
0x5c: {  	_ =	shalt  }
0x5d: {  	_ =	shalt  }
0x5e: {  	_ =	shalt  }
0x5f: {  	_ =	shalt  }
0x60: {  	_ =	shalt  }
0x61: {  	_ =	shalt  }
0x62: {  	_ =	shalt  }
0x63: {  	_ =	shalt  }
0x64: {  	_ =	shalt  }
0x65: {  	_ =	shalt  }
0x66: {  	_ =	shalt  }
0x67: {  	_ =	shalt  }
0x68: {  	_ =	shalt  }
0x69: {  	_ =	shalt  }
0x6a: {  	_ =	shalt  }
0x6b: {  	_ =	shalt  }
0x6c: {  	_ =	shalt  }
0x6d: {  	_ =	shalt  }
0x6e: {  	_ =	shalt  }
0x6f: {  	_ =	shalt  }
0x70: {  	_ =	shalt  }
0x71: {  	_ =	shalt  }
0x72: {  	_ =	shalt  }
0x73: {  	_ =	shalt  }
0x74: {  	_ =	shalt  }
0x75: {  	_ =	shalt  }
0x76: {  	_ =	shalt  }
0x77: {  	_ =	shalt  }
0x78: {  	_ =	shalt  }
0x79: {  	_ =	shalt  }
0x7a: {  	_ =	shalt  }
0x7b: {  	_ =	shalt  }
0x7c: {  	_ =	shalt  }
0x7d: {  	_ =	shalt  }
0x7e: {  	_ =	shalt  }
0x7f: {  	_ =	shalt  }
0x80: {  	_ =	shalt  }
0x81: {  	_ =	shalt  }
0x82: {  	_ =	shalt  }
0x83: {  	_ =	shalt  }
0x84: {  	_ =	shalt  }
0x85: {  	_ =	shalt  }
0x86: {  	_ =	shalt  }
0x87: {  	_ =	shalt  }
.Lfunc_end0:
.L_simem_size_0:
called_computation_lowered:
.L_overlay_start_0:
0x88: {  	s2 =	sld [smem:$0x3FD9]  }
0x89: {  	s3 =	sld [smem:$0x3FFE];
	_ =	sdelay $0x1  }
0x8a: {  	s1 =	srdreg.scid  }
0x8b: {  	s0 =	sand.u32 $0x1, s1  }
0x8c: {  	s16 =	sshll.u32 s0, $0xA;
	s2 =	sadd.s32 s3, s2  }
0x8d: {  	s2 =	sadd.s32 s2, s16  }
0x8e: {  	[smem:$0x3FB5] =	sst s2  }
0x8f: {  	_ = 	snop  }
0x90: {  	(tm) =	ssettm $0x1  }
0x91: {  	s17 =	sld [smem:$0x3FFB];
	_ =	sdelay $0x3  }
0x92: {  	_ =	strace s17  }
0x93: {  	s2 =	sld [smem:$0x3FFC];
	_ =	sdelay $0x3  }
0x94: {  	_ =	strace s2  }
0x95: {  	s2 =	sld [smem:$0x3FFD];
	_ =	sdelay $0x3  }
0x96: {  	_ =	strace s2  }
0x97: {  	_ =	strace $0x8FFFFFFF  }
0x98: {  	s18 =	sld [smem:$0x3FDB];
	_ =	sdelay $0x1  }
0x99: {  	s19 =	simm.s32 $_scs_section_size  }
0x9a: {  	s4 =	simm.s32 $_size__tile_overlayer_lowered;
	s5 =	simm.s32 $_tile_overlayer_lowered  }
0x9b: {  	s22 =	simm.s32 $0x1BFF;
	s21 =	sshll.u32 s5, $0x1;
	s2 =	sadd.s32 s19, s18  }
0x9c: {  	s6 =	simm.s32 $0x0;
	s20 =	sshll.u32 s4, $0x1;
	s4 =	sadd.s32 s21, s2  }
0x9d: {  	[timem:s6], [sflag:s22] =	dma.local [hbm:s4], s20  }
0x9e: {  	_ =	swait.ge [sflag:s22], s20  }
0x9f: {  	s3 =	ssub.s32 $0x0, s20;
	[sflag:s22] =	ssyncset.done $0x0  }
0xa0: {  	[sflag:s22] =	ssyncadd.s32 s3;
	_ =	sdelay $0x1  }
0xa1: {  	s23 =	simm.s32 $0x1B8B  }
0xa2: {  	_ =	swait.ge [sflag:s23], $0x1  }
0xa3: {  	[sflag:s23] =	ssyncset.done $0x0  }
0xa4: {  	s25 =	simm.s32 $0x1B8E;
	s24 =	sld [smem:$0x3FFE];
	[sflag:s23] =	ssyncadd.s32 $0xFFFFFFFF  }
0xa5: {  	s26 =	simm.s32 $execute0_lowered;
	[smem:$0x3FD2] =	sst s25  }
0xa6: {  	s4 =	sshll.u32 s26, $0x1;
	_ =	strace $0x80000046;
	[dreg:$0x1] =	wrdreg $0xFFFFFFFF  }
0xa7: {  	s28 =	simm.s32 $_size_execute0_lowered;
	s2 =	sadd.s32 s2, s4;
	[dreg:$0x0] =	wrdreg $0x0  }
0xa8: {  	s4 =	sshll.u32 s28, $0x1;
	[dreg:$0x2] =	wrdreg s2  }
0xa9: {  	[dreg:$0x3] =	wrdreg s4  }
0xaa: {  	[dreg:$0x4] =	wrdreg $0xC0  }
0xab: {  	_ =	task [dreg:s6], $0x5FFFF  }
0xac: {  	[dreg:$0x1] =	wrdreg $0xFFFFFFFF  }
0xad: {  	[dreg:$0x0] =	wrdreg $0x60  }
0xae: {  	[dreg:$0x2] =	wrdreg s24  }
0xaf: {  	[dreg:$0x3] =	wrdreg $0x9  }
0xb0: {  	_ =	task.clear_ibuf [dreg:s6], $0x4FFFF;
	_ =	strace $0x90000046  }
0xb1: {  	s29 =	simm.s32 $0x9;
	_ =	strace $0x80000048  }
0xb2: {  	_ =	swait.ge [sflag:s29], $0x1  }
0xb3: {  	[sflag:s29] =	ssyncadd.s32 $0xFFFFFFFF  }
0xb4: {  	_ =	strace $0x90000048  }
0xb5: {  	_ =	sfence  }
0xb6: {  	s30 =	sld [smem:$0x0];
	_ =	sdelay $0x2  }
0xb7: {  	s31 =	sshll.u32 s1, $0xD;
	s1 =	sshrl.u32 s1, $0x2  }
0xb8: {  	s3 =	sand.u32 $0x4000, s31;
	s1 =	sadd.s32 s1, s30  }
0xb9: {  	s0 =	sor.u32 s3, s0;
	s1 =	sshll.u32 s1, $0x11  }
0xba: {  	s0 =	sor.u32 s1, s0  }
0xbb: {  	s0 =	sadd.s32 $0x8F2B, s0  }
0xbc: {  	[sflag:s0] =	ssyncadd.remote.s32 $0x1  }
0xbd: {  	_ =	sfence.sel $0xFFFF  }
0xbe: {  	[dreg:$0x0] =	wrdreg $0xFFFFFFFF;
	(pc) =	sbr.abs _section_cstart, $3  }
0xbf: {  	[dreg:$0x1] =	wrdreg $0xFFFFFFFF  }
0xc0: {  	_ =	task.clear_ibuf [dreg:s6], $0x2FFFF;
	_ =	strace $0x9FFFFFFF  }
0xc1: {  	(tm) =	ssettm $0x7FFFFFFF  }
tec
execute0_lowered:
.L_overlay_start_1:
0x0: {  	(tag) =	ssettag $0x1  }
0x1: {  	s1 =	srdreg.scid  }
0x2: {  	s0 =	stileid.u32;
	s4 =	rddreg [dreg:$0x0];
	s2 =	simm.s32 $0x0  }
0x3: {  	s14 =	simm.s32 $0x1;
	s15 =	simm.s32 $0x2;
	s10 =	smul.u32 $0xD0000, s0  }
0x4: {  	s16 =	simm.s32 $0xC80;
	s5 =	sand.u32 $0x1, s1;
	s25 =	smul.u32 $0x1A00, s0  }
0x5: {  	s17 =	simm.s32 $0x0;
	s3 =	sshll.u32 s0, $0x1;
	s12 =	smul.u32 $0x68000, s5  }
0x6: {  	s1 =	rddreg [dreg:$0x1];
	s6 =	sor.u32 s5, s3;
	s28 =	smul.u32 $0xD00, s5  }
0x7: {  	[smem:$0x7FF] =	sst s2;
	s13 =	sadd.s32 $0xA0A200, s4;
	s7 =	smul.u32 $0xD00, s6  }
0x8: {  	_ =	strace $0x80000047;
	s9 =	ssub.s32 $0x2, s5;
	s8 =	smul.u32 $0x68000, s6  }
0x9: {  	s3 =	sadd.s32 $0xA200, s4;
	s11 =	sshrl.u32 s9, $0x1;
	s29 =	smul.u32 $0xD000, s6  }
0xa: {  	s9 =	ssub.s32 s9, s11;
	s30 =	sadd.s32 s12, s10;
	s12 =	simm.s32 $0x80  }
0xb: {  	s7 =	sshrl.u32 s7, $0x3;
	s26 =	sshrl.u32 s8, $0x3;
	s5 =	smax.u32 s9, $0x1  }
0xc: {  	s8 =	sadd.s32 s28, s25;
	s9 =	sadd.s32 s13, s29;
	s10 =	sshrl.u32 s30, $0x3  }
0xd: {  	s7 =	sadd.s32 s7, s4;
	s11 =	sshll.u32 s8, $0x4;
	s8 =	sadd.s32 s10, s13  }
0xe: {  	s10 =	simm.s32 $0x3;
	s4 =	sadd.s32 $0x6E00, s7;
	s7 =	sadd.s32 s13, s26  }
0xf: {  	s31 =	sadd.s32 s11, s13;
	s11 =	simm.s32 $0xD00;
	s13 =	simm.s32 $0x4D00  }
0x10: {  	s6 =	sadd.s32 $0xC000, s7;
	s7 =	sadd.s32 $0xC800, s9;
	s9 =	sadd.s32 $0x800, s31  }
.LBB2_1:
0x11: {  	[tilespmem:s2], [sflag:$0x3] =	stream.linear.gather [hbm4b:s4+s2], $0xD00, $0x38;
	[tilespmem:$0x8D00] =	vst v63  }
0x12: {  	_ =	swait.ge [sflag:s10], $0xD00  }
0x13: {  	[sflag:s10] =	ssyncset.done $0x0  }
0x14: {  	[sflag:s10] =	ssyncadd.s32 $0xFFFFF300  }
0x15: {  	[tilespmem:s11], [sflag:$0x1] =	stream.indirect.gather [hbm4b:s3+s12], $0x80, s2, s12, $0xb8;
	[tilespmem:$0x8D00] =	vst v63  }
0x16: {  	_ = 	snop  }
0x17: {  	[tilespmem:s13], [sflag:$0x2] =	stream.indirect.gather [hbm4b:s3+s12], $0x80, s12, s12, $0xb8;
	[tilespmem:$0x8D00] =	vst v63  }
0x18: {  	_ =	swait.ge [sflag:s14], $0x4000  }
0x19: {  	[sflag:s14] =	ssyncset.done $0x0  }
0x1a: {  	s18 =	sadd.s32 $0x0, s8;
	[sflag:s14] =	ssyncadd.s32 $0xFFFFC000  }
0x1b: {  	[hbm4b:s18+s2] =	stream.linear.scatter [tilespmem:s11], [sflag:$0x3], $0x4000, $0x38;
	[tilespmem:$0x8D00] =	vst v63  }
0x1c: {  	_ =	swait.ge [sflag:s10], $0x4000  }
0x1d: {  	[sflag:s10] =	ssyncset.done $0x0  }
0x1e: {  	s30 =	simm.s32 $0x100;
	[sflag:s10] =	ssyncadd.s32 $0xFFFFC000  }
0x1f: {  	[tilespmem:s11], [sflag:$0x1] =	stream.indirect.gather [hbm4b:s3+s12], $0x80, s30, s12, $0xb8;
	[tilespmem:$0x8D00] =	vst v63  }
0x20: {  	_ =	swait.ge [sflag:s15], $0x4000  }
0x21: {  	[sflag:s15] =	ssyncset.done $0x0  }
0x22: {  	s31 =	sadd.s32 $0x0, s9;
	[sflag:s15] =	ssyncadd.s32 $0xFFFFC000  }
0x23: {  	[hbm4b:s31+s2] =	stream.linear.scatter [tilespmem:s13], [sflag:$0x3], $0x4000, $0x38;
	[tilespmem:$0x8D00] =	vst v63  }
0x24: {  	_ =	swait.ge [sflag:s10], $0x4000  }
0x25: {  	s19 =	simm.s32 $0x80;
	s18 =	simm.s32 $0x1000;
	[sflag:s10] =	ssyncset.done $0x0  }
.LBB2_2:
0x26: {  	p0 =	sne.s32 s18, $0xB000;
	[sflag:s10] =	ssyncadd.s32 $0xFFFFC000;
	s19 =	sadd.s32 $0x100, s19  }
0x27: {  	[tilespmem:s13], [sflag:$0x2] =	stream.indirect.gather [hbm4b:s3+s12], $0x80, s19, s12, $0xb8;
	[tilespmem:$0x8D00] =	vst v63  }
0x28: {  	s20 =	smov.u32 s18;
	s18 =	sadd.s32 $0x1000, s18;
	_ =	swait.ge [sflag:s14], $0x4000  }
0x29: {  	[sflag:s14] =	ssyncset.done $0x0  }
0x2a: {  	s21 =	sadd.s32 s20, s8;
	[sflag:s14] =	ssyncadd.s32 $0xFFFFC000  }
0x2b: {  	[hbm4b:s21+s2] =	stream.linear.scatter [tilespmem:s11], [sflag:$0x3], $0x4000, $0x38;
	[tilespmem:$0x8D00] =	vst v63  }
0x2c: {  	_ =	swait.ge [sflag:s10], $0x4000  }
0x2d: {  	[sflag:s10] =	ssyncset.done $0x0  }
0x2e: {  	s21 =	sadd.s32 $0x80, s19;
	[sflag:s10] =	ssyncadd.s32 $0xFFFFC000  }
0x2f: {  	[tilespmem:s11], [sflag:$0x1] =	stream.indirect.gather [hbm4b:s3+s12], $0x80, s21, s12, $0xb8;
	[tilespmem:$0x8D00] =	vst v63  }
0x30: {  	_ =	swait.ge [sflag:s15], $0x4000  }
.Ltmp0:
0x31: {  	[sflag:s15] =	ssyncset.done $0x0;
	(pc) =	sbr.rel @p0 .LBB2_2-.Ltmp0, $4  }
0x32: {  	s20 =	sadd.s32 s20, s9;
	[sflag:s15] =	ssyncadd.s32 $0xFFFFC000  }
0x33: {  	[hbm4b:s20+s2] =	stream.linear.scatter [tilespmem:s13], [sflag:$0x3], $0x4000, $0x38;
	[tilespmem:$0x8D00] =	vst v63  }
0x34: {  	_ =	swait.ge [sflag:s10], $0x4000  }
0x35: {  	[sflag:s10] =	ssyncset.done $0x0  }
0x36: {  	[sflag:s10] =	ssyncadd.s32 $0xFFFFC000  }
0x37: {  	[tilespmem:s13], [sflag:$0x2] =	stream.indirect.gather [hbm4b:s3+s12], $0x80, s16, s12, $0xb8;
	[tilespmem:$0x8D00] =	vst v63  }
0x38: {  	_ =	swait.ge [sflag:s14], $0x4000  }
0x39: {  	[sflag:s14] =	ssyncset.done $0x0  }
0x3a: {  	[sflag:s14] =	ssyncadd.s32 $0xFFFFC000  }
0x3b: {  	[hbm4b:s6+s2] =	stream.linear.scatter [tilespmem:s11], [sflag:$0x3], $0x4000, $0x38;
	[tilespmem:$0x8D00] =	vst v63  }
0x3c: {  	_ =	swait.ge [sflag:s10], $0x4000  }
0x3d: {  	[sflag:s10] =	ssyncset.done $0x0  }
0x3e: {  	[sflag:s10] =	ssyncadd.s32 $0xFFFFC000  }
0x3f: {  	s17 =	sadd.s32 $0x1, s17;
	_ =	swait.ge [sflag:s15], $0x4000  }
0x40: {  	p0 =	sne.s32 s17, s5;
	[sflag:s15] =	ssyncset.done $0x0  }
.Ltmp1:
0x41: {  	[sflag:s15] =	ssyncadd.s32 $0xFFFFC000;
	(pc) =	sbr.rel @p0 .LBB2_1-.Ltmp1, $4  }
0x42: {  	[hbm4b:s7+s2] =	stream.linear.scatter [tilespmem:s13], [sflag:$0x3], $0x4000, $0x38;
	[tilespmem:$0x8D00] =	vst v63  }
0x43: {  	_ =	swait.ge [sflag:s10], $0x4000  }
0x44: {  	[sflag:s10] =	ssyncset.done $0x0  }
0x45: {  	[sflag:s10] =	ssyncadd.s32 $0xFFFFC000  }
0x46: {  	_ =	sfence.sel $0x180000  }
0x47: {  	[bflag:$0x0] =	sbarrier.arrive $0xFFFF  }
0x48: {  	p0 =	sne.s32 s0, $0x0;
	_ =	strace $0x90000047  }
0x49: {  	s0 =	sadd.s32 @!p0 $0x100000, s1;
	[bflag:$0x2] =	sbarrier.arrive $0xFFFF  }
0x4a: {  	[sflag:s0] =	ssyncadd.tile.s32 @!p0 $0x1;
	_ =	shalt  }
.Lfunc_end2:
_tile_overlayer_lowered:
.L_overlay_start_2:
0x4b: {  	(tag) =	ssettag $0x2  }
0x4c: {  	s0 =	rddreg [dreg:$0x0];
	s2 =	stileid.u32  }
0x4d: {  	s1 =	rddreg [dreg:$0x1];
	p0 =	sne.s32 s2, $0x0  }
0x4e: {  	s3 =	rddreg [dreg:$0x2];
	[bflag:$0x3] =	sbarrier.arrive $0xFFFF;
	s2 =	simm.s32 @!p0 $0x1C03  }
0x4f: {  	[timem:s3], [sflag:s2] =	dma.local @!p0 [hbm:s0], s1  }
0x50: {  	s0 =	simm.s32 @!p0 $0x3  }
0x51: {  	_ =	swait.ge @!p0 [sflag:s0], s1  }
0x52: {  	s1 =	ssub.s32 @!p0 $0x0, s1;
	[sflag:s0] =	ssyncset.done @!p0 $0x0  }
0x53: {  	[sflag:s0] =	ssyncadd.s32 @!p0 s1  }
0x54: {  	[bflag:$0x3] =	sbarrier.arrive $0xFFFF  }
0x55: {  	_ =	shalt  }

</sc_bundles>
